<compile_context>
chip_gen: v7x
topology: tpu7x:2x2x1
jax: 0.10.2.dev20260603
libtpu: 0.0.44.dev20260713+nightly
codegen_flags: <defaults>
</compile_context>

<pallas_src>
import functools

import jax
import jax.numpy as jnp
from jax import lax
from jax.experimental import pallas as pl
from jax.experimental.pallas import tpu as pltpu
from jax.experimental.pallas import tpu_sc as plsc

N = 16384
C = 1000
L = 16
NC, NS = 2, 16
NW = NC * NS
BPW = N // NW
WIN = 128
IPT = 32
NT = BPW // IPT

_LN2 = 0.6931471805599453
_P = (-1.9316664196629012, 3.4982118829630044, -2.4207929905996237,
      1.1047965807705125, -0.2806291682866353, 0.030102247599643327)


def _vlog(x):
    bits = lax.bitcast_convert_type(x, jnp.int32)
    e = lax.shift_right_logical(bits, 23) - 127
    m = lax.bitcast_convert_type((bits & 0x007FFFFF) | 0x3F800000, jnp.float32)
    p = _P[5]
    for c in (_P[4], _P[3], _P[2], _P[1], _P[0]):
        p = p * m + c
    return e.astype(jnp.float32) * _LN2 + p


_MESH = plsc.VectorSubcoreMesh(core_axis_name="c", subcore_axis_name="s")


@functools.partial(
    pl.kernel,
    mesh=_MESH,
    out_type=jax.ShapeDtypeStruct((NW, L), jnp.float32),
    compiler_params=pltpu.CompilerParams(needs_layout_passes=False,
                                         skip_device_barrier=True),
    scratch_types=[
        pltpu.VMEM((BPW,), jnp.int32),
        pltpu.VMEM((NT, IPT, WIN), jnp.float32),
        pltpu.VMEM((L,), jnp.float32),
        pltpu.SemaphoreType.DMA((NT,)),
    ],
)
def _nll_partials(tableT_hbm, tgt_hbm, out_hbm, tgt_v, win_v, acc_v, sem):
    wid = lax.axis_index("s") * NC + lax.axis_index("c")
    base = wid * BPW
    pltpu.sync_copy(tgt_hbm.at[pl.ds(base, BPW)], tgt_v)
    lane = lax.iota(jnp.int32, L)

    def _fire(w, carry):
        pltpu.async_copy(
            tableT_hbm.at[tgt_v.at[pl.ds(w * IPT, IPT)],
                          pl.ds(base + (w // 4) * WIN, WIN)],
            win_v.at[w], sem.at[w])
        return carry
    lax.fori_loop(0, NT, _fire, jnp.int32(0))

    def _window(w, a):
        pltpu.make_async_copy(
            tableT_hbm.at[tgt_v.at[pl.ds(w * IPT, IPT)],
                          pl.ds(base + (w // 4) * WIN, WIN)],
            win_v.at[w], sem.at[w]).wait()
        cbase = (w % 4) * IPT
        for j in range(IPT // L):
            d = j * L + lane
            a = a + _vlog(plsc.load_gather(win_v.at[w], [d, cbase + d]))
        return a
    acc = lax.fori_loop(0, NT, _window, jnp.zeros((L,), jnp.float32))

    acc_v[...] = acc * jnp.float32(-1.0 / N)
    pltpu.sync_copy(acc_v, out_hbm.at[wid])


def kernel(input, target):
    partials = _nll_partials(input.T, target.astype(jnp.int32))
    return jnp.sum(partials)

# --- scband reference (transcript-rebuilt; emitter-appended) ---
"""Pipeline reference for scband-nllloss-34144990003224 (READ-ONLY COPY).

The authoritative reference and input builder live on the scoring server;
editing this copy changes nothing except your own understanding.
"""

import jax, jax.numpy as jnp
import numpy as np


def setup_inputs(seed: int = 0) -> dict:
    key = jax.random.key(seed)
    k1, k2 = jax.random.split(key)
    # probabilities in (0,1); clamp away from 0 so log is finite
    inp = jax.random.uniform(k1, (16384, 1000), dtype=jnp.float32, minval=1e-6, maxval=1.0)
    target = jax.random.randint(k2, (16384,), 0, 1000, dtype=jnp.int64 if jax.config.jax_enable_x64 else jnp.int32)
    return {"input": inp, "target": target}


def reference(input, target):
    n = target.shape[0]
    # gather input[arange(n), target], log, sum, negate, average
    picked = input[jnp.arange(n), target]
    logprob = jnp.sum(jnp.log(picked))
    return -logprob / n

if __name__ == "__main__":
    import jax
    _d = setup_inputs()
    print(jax.jit(kernel)(*tuple(_d.values())))

</pallas_src>

<mosaic_0001>
#map = affine_map<(d0, d1) -> (0, 0)>
#map1 = affine_map<(d0, d1) -> (0)>
module attributes {stable_mosaic.version = 14 : i64} {
  func.func @_nll_partials(%arg0: i32, %arg1: i32, %arg2: memref<1000x16384xf32, #tpu.memory_space<hbm>>, %arg3: memref<16384xi32, #tpu.memory_space<hbm>>, %arg4: memref<32x16xf32, #tpu.memory_space<hbm>>, %arg5: memref<512xi32, #tpu.memory_space<vmem>>, %arg6: memref<16x32x128xf32, #tpu.memory_space<vmem>>, %arg7: memref<16xf32, #tpu.memory_space<vmem>>, %arg8: memref<16x!tpu.dma_semaphore, #tpu.memory_space<semaphore_mem>>) attributes {dimension_semantics = [#tpu.dimension_semantics<core_parallel>, #tpu.dimension_semantics<subcore_parallel>], iteration_bounds = array<i64: 2, 16>, scalar_prefetch = 0 : i64, scratch_operands = 4 : i64, tpu.core_type = #tpu.core_type<sc_vector_subcore>, window_params = [{transform_indices = #map}, {transform_indices = #map1}, {transform_indices = #map}]} {
    %mul3A = arith.constant 2 : i32
    %mul3A_0 = arith.muli %arg1, %mul3A : i32
    %add3A = arith.addi %mul3A_0, %arg0 : i32
    %mul3A_1 = arith.constant 512 : i32
    %mul3A_2 = arith.muli %add3A, %mul3A_1 : i32
    "tpu.region"() ({
      %run_scoped3A = tpu.sem_alloc : memref<!tpu.dma_semaphore, #tpu.memory_space<semaphore_mem>>
      %dma_start3A = tpu.memref_slice %arg3[%mul3A_2] : memref<16384xi32, #tpu.memory_space<hbm>> -> memref<512xi32, #tpu.memory_space<hbm>>
      %dma_start3A_19 = tpu.memref_slice %arg3[%mul3A_2] : memref<16384xi32, #tpu.memory_space<hbm>> -> memref<512xi32, #tpu.memory_space<hbm>>
      tpu.enqueue_dma source(%dma_start3A_19 : memref<512xi32, #tpu.memory_space<hbm>>) target(%arg5 : memref<512xi32, #tpu.memory_space<vmem>>) target_semaphore(%run_scoped3A : memref<!tpu.dma_semaphore, #tpu.memory_space<semaphore_mem>>)
      %dma_wait3A = tpu.memref_slice %arg3[%mul3A_2] : memref<16384xi32, #tpu.memory_space<hbm>> -> memref<512xi32, #tpu.memory_space<hbm>>
      %dma_wait3A_20 = tpu.memref_slice %arg3[%mul3A_2] : memref<16384xi32, #tpu.memory_space<hbm>> -> memref<512xi32, #tpu.memory_space<hbm>>
      tpu.wait_dma2 semaphore(%run_scoped3A : memref<!tpu.dma_semaphore, #tpu.memory_space<semaphore_mem>>) src(%dma_wait3A_20 : memref<512xi32, #tpu.memory_space<hbm>>) dst(%arg5 : memref<512xi32, #tpu.memory_space<vmem>>)
      tpu.yield
    }) : () -> ()
    %iota3A = tpu.iota {dimensions = array<i32: 0>} : vector<16xi32>
    %scan3A = arith.constant 0 : i32
    %scan3A_3 = arith.constant 0 : i32
    %scan3A_4 = arith.constant 16 : i32
    %scan3A_5 = arith.addi %scan3A_3, %scan3A_4 : i32
    %scan3A_6 = arith.constant 1 : i32
    scf.for %scan3A_19 = %scan3A_3 to %scan3A_5 step %scan3A_6  : i32 {
      %mul3A_20 = arith.constant 32 : i32
      %mul3A_21 = arith.muli %scan3A_19, %mul3A_20 : i32
      %jit3A = arith.constant 4 : i32
      %div3A = arith.divsi %scan3A_19, %jit3A : i32
      %sign3A = arith.constant 0 : i32
      %sign3A_22 = arith.cmpi sgt, %scan3A_19, %sign3A : i32
      %sign3A_23 = arith.extui %sign3A_22 : i1 to i32
      %sign3A_24 = arith.constant 0 : i32
      %sign3A_25 = arith.cmpi slt, %scan3A_19, %sign3A_24 : i32
      %sign3A_26 = arith.extui %sign3A_25 : i1 to i32
      %sign3A_27 = arith.subi %sign3A_23, %sign3A_26 : i32
      %sign3A_28 = arith.constant 0 : i32
      %sign3A_29 = arith.cmpi sgt, %jit3A, %sign3A_28 : i32
      %sign3A_30 = arith.extui %sign3A_29 : i1 to i32
      %sign3A_31 = arith.constant 0 : i32
      %sign3A_32 = arith.cmpi slt, %jit3A, %sign3A_31 : i32
      %sign3A_33 = arith.extui %sign3A_32 : i1 to i32
      %sign3A_34 = arith.subi %sign3A_30, %sign3A_33 : i32
      %ne3A = arith.cmpi ne, %sign3A_27, %sign3A_34 : i32
      %rem3A = arith.remsi %scan3A_19, %jit3A : i32
      %ne3A_35 = arith.constant 0 : i32
      %ne3A_36 = arith.cmpi ne, %rem3A, %ne3A_35 : i32
      %and3A = arith.andi %ne3A, %ne3A_36 : i1
      %sub3A = arith.constant 1 : i32
      %sub3A_37 = arith.subi %div3A, %sub3A : i32
      %select_n3A = arith.select %and3A, %sub3A_37, %div3A : i32
      %mul3A_38 = arith.constant 128 : i32
      %mul3A_39 = arith.muli %select_n3A, %mul3A_38 : i32
      %add3A_40 = arith.addi %mul3A_2, %mul3A_39 : i32
      %dma_start3A = arith.constant 0 : i32
      %dma_start3A_41 = arith.constant 0 : i32
      %dma_start3A_42 = tpu.memref_slice %arg6[%scan3A_19, %dma_start3A, %dma_start3A_41] : memref<16x32x128xf32, #tpu.memory_space<vmem>> -> memref<1x32x128xf32, #tpu.memory_space<vmem>>
      %dma_start3A_43 = tpu.memref_squeeze %dma_start3A_42 : memref<1x32x128xf32, #tpu.memory_space<vmem>> -> memref<32x128xf32, #tpu.memory_space<vmem>>
      %dma_start3A_44 = tpu.memref_slice %arg5[%mul3A_21] : memref<512xi32, #tpu.memory_space<vmem>> -> memref<32xi32, #tpu.memory_space<vmem>>
      %dma_start3A_45 = arith.constant 0 : i32
      %dma_start3A_46 = tpu.memref_slice %arg2[%dma_start3A_45, %add3A_40] : memref<1000x16384xf32, #tpu.memory_space<hbm>> -> memref<1000x128xf32, #tpu.memory_space<hbm>>
      %dma_start3A_47 = tpu.memref_slice %arg8[%scan3A_19] : memref<16x!tpu.dma_semaphore, #tpu.memory_space<semaphore_mem>> -> memref<1x!tpu.dma_semaphore, #tpu.memory_space<semaphore_mem>>
      %dma_start3A_48 = tpu.memref_squeeze %dma_start3A_47 : memref<1x!tpu.dma_semaphore, #tpu.memory_space<semaphore_mem>> -> memref<!tpu.dma_semaphore, #tpu.memory_space<semaphore_mem>>
      tpu.enqueue_indirect_dma source(%dma_start3A_46 : memref<1000x128xf32, #tpu.memory_space<hbm>>) target(%dma_start3A_43 : memref<32x128xf32, #tpu.memory_space<vmem>>) offsets(%dma_start3A_44 : memref<32xi32, #tpu.memory_space<vmem>>) semaphore(%dma_start3A_48 : memref<!tpu.dma_semaphore, #tpu.memory_space<semaphore_mem>>)
    }
    %scan3A_7 = arith.constant 16 : i32
    %broadcast_in_dim3A = arith.constant 0.000000e+00 : f32
    %broadcast_in_dim3A_8 = vector.broadcast %broadcast_in_dim3A : f32 to vector<16xf32>
    %scan3A_9 = arith.constant 0 : i32
    %scan3A_10 = arith.constant 16 : i32
    %scan3A_11 = arith.addi %scan3A_9, %scan3A_10 : i32
    %scan3A_12 = arith.constant 1 : i32
    %scan3A_13 = scf.for %scan3A_19 = %scan3A_9 to %scan3A_11 step %scan3A_12 iter_args(%scan3A_20 = %broadcast_in_dim3A_8) -> (vector<16xf32>)  : i32 {
      %mul3A_21 = arith.constant 32 : i32
      %mul3A_22 = arith.muli %scan3A_19, %mul3A_21 : i32
      %jit3A = arith.constant 4 : i32
      %div3A = arith.divsi %scan3A_19, %jit3A : i32
      %sign3A = arith.constant 0 : i32
      %sign3A_23 = arith.cmpi sgt, %scan3A_19, %sign3A : i32
      %sign3A_24 = arith.extui %sign3A_23 : i1 to i32
      %sign3A_25 = arith.constant 0 : i32
      %sign3A_26 = arith.cmpi slt, %scan3A_19, %sign3A_25 : i32
      %sign3A_27 = arith.extui %sign3A_26 : i1 to i32
      %sign3A_28 = arith.subi %sign3A_24, %sign3A_27 : i32
      %sign3A_29 = arith.constant 0 : i32
      %sign3A_30 = arith.cmpi sgt, %jit3A, %sign3A_29 : i32
      %sign3A_31 = arith.extui %sign3A_30 : i1 to i32
      %sign3A_32 = arith.constant 0 : i32
      %sign3A_33 = arith.cmpi slt, %jit3A, %sign3A_32 : i32
      %sign3A_34 = arith.extui %sign3A_33 : i1 to i32
      %sign3A_35 = arith.subi %sign3A_31, %sign3A_34 : i32
      %ne3A = arith.cmpi ne, %sign3A_28, %sign3A_35 : i32
      %rem3A = arith.remsi %scan3A_19, %jit3A : i32
      %ne3A_36 = arith.constant 0 : i32
      %ne3A_37 = arith.cmpi ne, %rem3A, %ne3A_36 : i32
      %and3A = arith.andi %ne3A, %ne3A_37 : i1
      %sub3A = arith.constant 1 : i32
      %sub3A_38 = arith.subi %div3A, %sub3A : i32
      %select_n3A = arith.select %and3A, %sub3A_38, %div3A : i32
      %mul3A_39 = arith.constant 128 : i32
      %mul3A_40 = arith.muli %select_n3A, %mul3A_39 : i32
      %add3A_41 = arith.addi %mul3A_2, %mul3A_40 : i32
      %dma_wait3A = arith.constant 0 : i32
      %dma_wait3A_42 = arith.constant 0 : i32
      %dma_wait3A_43 = tpu.memref_slice %arg6[%scan3A_19, %dma_wait3A, %dma_wait3A_42] : memref<16x32x128xf32, #tpu.memory_space<vmem>> -> memref<1x32x128xf32, #tpu.memory_space<vmem>>
      %dma_wait3A_44 = tpu.memref_squeeze %dma_wait3A_43 : memref<1x32x128xf32, #tpu.memory_space<vmem>> -> memref<32x128xf32, #tpu.memory_space<vmem>>
      %dma_wait3A_45 = tpu.memref_slice %arg5[%mul3A_22] : memref<512xi32, #tpu.memory_space<vmem>> -> memref<32xi32, #tpu.memory_space<vmem>>
      %dma_wait3A_46 = arith.constant 0 : i32
      %dma_wait3A_47 = tpu.memref_slice %arg2[%dma_wait3A_46, %add3A_41] : memref<1000x16384xf32, #tpu.memory_space<hbm>> -> memref<1000x128xf32, #tpu.memory_space<hbm>>
      %dma_wait3A_48 = tpu.memref_slice %arg8[%scan3A_19] : memref<16x!tpu.dma_semaphore, #tpu.memory_space<semaphore_mem>> -> memref<1x!tpu.dma_semaphore, #tpu.memory_space<semaphore_mem>>
      %dma_wait3A_49 = tpu.memref_squeeze %dma_wait3A_48 : memref<1x!tpu.dma_semaphore, #tpu.memory_space<semaphore_mem>> -> memref<!tpu.dma_semaphore, #tpu.memory_space<semaphore_mem>>
      tpu.wait_indirect_dma semaphore(%dma_wait3A_49 : memref<!tpu.dma_semaphore, #tpu.memory_space<semaphore_mem>>) src(%dma_wait3A_47 : memref<1000x128xf32, #tpu.memory_space<hbm>>) dst(%dma_wait3A_44 : memref<32x128xf32, #tpu.memory_space<vmem>>)
      %jit3A_50 = arith.constant 4 : i32
      %eq3A = arith.constant 0 : i32
      %eq3A_51 = arith.cmpi eq, %jit3A_50, %eq3A : i32
      %jit3A_52 = arith.constant 1 : i32
      %select_n3A_53 = arith.select %eq3A_51, %jit3A_52, %jit3A_50 : i32
      %rem3A_54 = arith.remsi %scan3A_19, %select_n3A_53 : i32
      %ne3A_55 = arith.constant 0 : i32
      %ne3A_56 = arith.cmpi ne, %rem3A_54, %ne3A_55 : i32
      %lt3A = arith.constant 0 : i32
      %lt3A_57 = arith.cmpi slt, %rem3A_54, %lt3A : i32
      %lt3A_58 = arith.constant 0 : i32
      %lt3A_59 = arith.cmpi slt, %select_n3A_53, %lt3A_58 : i32
      %ne3A_60 = arith.xori %lt3A_57, %lt3A_59 : i1
      %and3A_61 = arith.andi %ne3A_60, %ne3A_56 : i1
      %add3A_62 = arith.addi %rem3A_54, %select_n3A_53 : i32
      %select_n3A_63 = arith.select %and3A_61, %add3A_62, %rem3A_54 : i32
      %mul3A_64 = arith.constant 32 : i32
      %mul3A_65 = arith.muli %select_n3A_63, %mul3A_64 : i32
      %add3A_66 = arith.constant 0 : i32
      %add3A_67 = vector.broadcast %add3A_66 : i32 to vector<16xi32>
      %add3A_68 = arith.addi %add3A_67, %iota3A : vector<16xi32>
      %add3A_69 = vector.broadcast %mul3A_65 : i32 to vector<16xi32>
      %add3A_70 = arith.addi %add3A_69, %add3A_68 : vector<16xi32>
      %gather3A = arith.constant 0 : i32
      %gather3A_71 = arith.constant 0 : i32
      %gather3A_72 = tpu.memref_slice %arg6[%scan3A_19, %gather3A, %gather3A_71] : memref<16x32x128xf32, #tpu.memory_space<vmem>> -> memref<1x32x128xf32, #tpu.memory_space<vmem>>
      %gather3A_73 = tpu.memref_squeeze %gather3A_72 : memref<1x32x128xf32, #tpu.memory_space<vmem>> -> memref<32x128xf32, #tpu.memory_space<vmem>>
      %gather3A_74 = tpu.vector_load_idx %gather3A_73[%add3A_68, %add3A_70] : memref<32x128xf32, #tpu.memory_space<vmem>>[vector<16xi32>, vector<16xi32>], vector<16xf32>,
      %bitcast_convert_type3A = tpu.bitcast %gather3A_74 : vector<16xf32> -> vector<16xi32>
      %shift_right_logical3A = arith.constant 23 : i32
      %shift_right_logical3A_75 = vector.broadcast %shift_right_logical3A : i32 to vector<16xi32>
      %shift_right_logical3A_76 = arith.shrui %bitcast_convert_type3A, %shift_right_logical3A_75 : vector<16xi32>
      %sub3A_77 = arith.constant 127 : i32
      %sub3A_78 = vector.broadcast %sub3A_77 : i32 to vector<16xi32>
      %sub3A_79 = arith.subi %shift_right_logical3A_76, %sub3A_78 : vector<16xi32>
      %and3A_80 = arith.constant 8388607 : i32
      %and3A_81 = vector.broadcast %and3A_80 : i32 to vector<16xi32>
      %and3A_82 = arith.andi %bitcast_convert_type3A, %and3A_81 : vector<16xi32>
      %or3A = arith.constant 1065353216 : i32
      %or3A_83 = vector.broadcast %or3A : i32 to vector<16xi32>
      %or3A_84 = arith.ori %and3A_82, %or3A_83 : vector<16xi32>
      %bitcast_convert_type3A_85 = tpu.bitcast %or3A_84 : vector<16xi32> -> vector<16xf32>
      %mul3A_86 = arith.constant 0.0301022474 : f32
      %mul3A_87 = vector.broadcast %mul3A_86 : f32 to vector<16xf32>
      %mul3A_88 = arith.mulf %mul3A_87, %bitcast_convert_type3A_85 : vector<16xf32>
      %add3A_89 = arith.constant -0.280629158 : f32
      %add3A_90 = vector.broadcast %add3A_89 : f32 to vector<16xf32>
      %add3A_91 = arith.addf %mul3A_88, %add3A_90 : vector<16xf32>
      %mul3A_92 = arith.mulf %add3A_91, %bitcast_convert_type3A_85 : vector<16xf32>
      %add3A_93 = arith.constant 1.10479653 : f32
      %add3A_94 = vector.broadcast %add3A_93 : f32 to vector<16xf32>
      %add3A_95 = arith.addf %mul3A_92, %add3A_94 : vector<16xf32>
      %mul3A_96 = arith.mulf %add3A_95, %bitcast_convert_type3A_85 : vector<16xf32>
      %add3A_97 = arith.constant -2.42079306 : f32
      %add3A_98 = vector.broadcast %add3A_97 : f32 to vector<16xf32>
      %add3A_99 = arith.addf %mul3A_96, %add3A_98 : vector<16xf32>
      %mul3A_100 = arith.mulf %add3A_99, %bitcast_convert_type3A_85 : vector<16xf32>
      %add3A_101 = arith.constant 3.49821186 : f32
      %add3A_102 = vector.broadcast %add3A_101 : f32 to vector<16xf32>
      %add3A_103 = arith.addf %mul3A_100, %add3A_102 : vector<16xf32>
      %mul3A_104 = arith.mulf %add3A_103, %bitcast_convert_type3A_85 : vector<16xf32>
      %add3A_105 = arith.constant -1.93166637 : f32
      %add3A_106 = vector.broadcast %add3A_105 : f32 to vector<16xf32>
      %add3A_107 = arith.addf %mul3A_104, %add3A_106 : vector<16xf32>
      %convert_element_type3A = arith.sitofp %sub3A_79 : vector<16xi32> to vector<16xf32>
      %mul3A_108 = arith.constant 0.693147182 : f32
      %mul3A_109 = vector.broadcast %mul3A_108 : f32 to vector<16xf32>
      %mul3A_110 = arith.mulf %convert_element_type3A, %mul3A_109 : vector<16xf32>
      %add3A_111 = arith.addf %mul3A_110, %add3A_107 : vector<16xf32>
      %add3A_112 = arith.addf %scan3A_20, %add3A_111 : vector<16xf32>
      %add3A_113 = arith.constant 16 : i32
      %add3A_114 = vector.broadcast %add3A_113 : i32 to vector<16xi32>
      %add3A_115 = arith.addi %add3A_114, %iota3A : vector<16xi32>
      %add3A_116 = vector.broadcast %mul3A_65 : i32 to vector<16xi32>
      %add3A_117 = arith.addi %add3A_116, %add3A_115 : vector<16xi32>
      %gather3A_118 = arith.constant 0 : i32
      %gather3A_119 = arith.constant 0 : i32
      %gather3A_120 = tpu.memref_slice %arg6[%scan3A_19, %gather3A_118, %gather3A_119] : memref<16x32x128xf32, #tpu.memory_space<vmem>> -> memref<1x32x128xf32, #tpu.memory_space<vmem>>
      %gather3A_121 = tpu.memref_squeeze %gather3A_120 : memref<1x32x128xf32, #tpu.memory_space<vmem>> -> memref<32x128xf32, #tpu.memory_space<vmem>>
      %gather3A_122 = tpu.vector_load_idx %gather3A_121[%add3A_115, %add3A_117] : memref<32x128xf32, #tpu.memory_space<vmem>>[vector<16xi32>, vector<16xi32>], vector<16xf32>,
      %bitcast_convert_type3A_123 = tpu.bitcast %gather3A_122 : vector<16xf32> -> vector<16xi32>
      %shift_right_logical3A_124 = arith.constant 23 : i32
      %shift_right_logical3A_125 = vector.broadcast %shift_right_logical3A_124 : i32 to vector<16xi32>
      %shift_right_logical3A_126 = arith.shrui %bitcast_convert_type3A_123, %shift_right_logical3A_125 : vector<16xi32>
      %sub3A_127 = arith.constant 127 : i32
      %sub3A_128 = vector.broadcast %sub3A_127 : i32 to vector<16xi32>
      %sub3A_129 = arith.subi %shift_right_logical3A_126, %sub3A_128 : vector<16xi32>
      %and3A_130 = arith.constant 8388607 : i32
      %and3A_131 = vector.broadcast %and3A_130 : i32 to vector<16xi32>
      %and3A_132 = arith.andi %bitcast_convert_type3A_123, %and3A_131 : vector<16xi32>
      %or3A_133 = arith.constant 1065353216 : i32
      %or3A_134 = vector.broadcast %or3A_133 : i32 to vector<16xi32>
      %or3A_135 = arith.ori %and3A_132, %or3A_134 : vector<16xi32>
      %bitcast_convert_type3A_136 = tpu.bitcast %or3A_135 : vector<16xi32> -> vector<16xf32>
      %mul3A_137 = arith.constant 0.0301022474 : f32
      %mul3A_138 = vector.broadcast %mul3A_137 : f32 to vector<16xf32>
      %mul3A_139 = arith.mulf %mul3A_138, %bitcast_convert_type3A_136 : vector<16xf32>
      %add3A_140 = arith.constant -0.280629158 : f32
      %add3A_141 = vector.broadcast %add3A_140 : f32 to vector<16xf32>
      %add3A_142 = arith.addf %mul3A_139, %add3A_141 : vector<16xf32>
      %mul3A_143 = arith.mulf %add3A_142, %bitcast_convert_type3A_136 : vector<16xf32>
      %add3A_144 = arith.constant 1.10479653 : f32
      %add3A_145 = vector.broadcast %add3A_144 : f32 to vector<16xf32>
      %add3A_146 = arith.addf %mul3A_143, %add3A_145 : vector<16xf32>
      %mul3A_147 = arith.mulf %add3A_146, %bitcast_convert_type3A_136 : vector<16xf32>
      %add3A_148 = arith.constant -2.42079306 : f32
      %add3A_149 = vector.broadcast %add3A_148 : f32 to vector<16xf32>
      %add3A_150 = arith.addf %mul3A_147, %add3A_149 : vector<16xf32>
      %mul3A_151 = arith.mulf %add3A_150, %bitcast_convert_type3A_136 : vector<16xf32>
      %add3A_152 = arith.constant 3.49821186 : f32
      %add3A_153 = vector.broadcast %add3A_152 : f32 to vector<16xf32>
      %add3A_154 = arith.addf %mul3A_151, %add3A_153 : vector<16xf32>
      %mul3A_155 = arith.mulf %add3A_154, %bitcast_convert_type3A_136 : vector<16xf32>
      %add3A_156 = arith.constant -1.93166637 : f32
      %add3A_157 = vector.broadcast %add3A_156 : f32 to vector<16xf32>
      %add3A_158 = arith.addf %mul3A_155, %add3A_157 : vector<16xf32>
      %convert_element_type3A_159 = arith.sitofp %sub3A_129 : vector<16xi32> to vector<16xf32>
      %mul3A_160 = arith.constant 0.693147182 : f32
      %mul3A_161 = vector.broadcast %mul3A_160 : f32 to vector<16xf32>
      %mul3A_162 = arith.mulf %convert_element_type3A_159, %mul3A_161 : vector<16xf32>
      %add3A_163 = arith.addf %mul3A_162, %add3A_158 : vector<16xf32>
      %add3A_164 = arith.addf %add3A_112, %add3A_163 : vector<16xf32>
      scf.yield %add3A_164 : vector<16xf32>
    }
    %scan3A_14 = arith.constant 16 : i32
    %mul3A_15 = arith.constant -6.10351563E-5 : f32
    %mul3A_16 = vector.broadcast %mul3A_15 : f32 to vector<16xf32>
    %mul3A_17 = arith.mulf %scan3A_13, %mul3A_16 : vector<16xf32>
    %swap3A = arith.constant 0 : index
    %swap3A_18 = tpu.vector_load %arg7[%swap3A] {strides = array<i32>} : memref<16xf32, #tpu.memory_space<vmem>>, vector<16xf32>,
    tpu.vector_store %arg7[%swap3A], %mul3A_17 {strides = array<i32>} : memref<16xf32, #tpu.memory_space<vmem>>, vector<16xf32>,
    "tpu.region"() ({
      %run_scoped3A = tpu.sem_alloc : memref<!tpu.dma_semaphore, #tpu.memory_space<semaphore_mem>>
      %dma_start3A = arith.constant 0 : i32
      %dma_start3A_19 = tpu.memref_slice %arg4[%add3A, %dma_start3A] : memref<32x16xf32, #tpu.memory_space<hbm>> -> memref<1x16xf32, #tpu.memory_space<hbm>>
      %dma_start3A_20 = tpu.memref_squeeze %dma_start3A_19 : memref<1x16xf32, #tpu.memory_space<hbm>> -> memref<16xf32, #tpu.memory_space<hbm>>
      %dma_start3A_21 = arith.constant 0 : i32
      %dma_start3A_22 = tpu.memref_slice %arg4[%add3A, %dma_start3A_21] : memref<32x16xf32, #tpu.memory_space<hbm>> -> memref<1x16xf32, #tpu.memory_space<hbm>>
      %dma_start3A_23 = tpu.memref_squeeze %dma_start3A_22 : memref<1x16xf32, #tpu.memory_space<hbm>> -> memref<16xf32, #tpu.memory_space<hbm>>
      tpu.enqueue_dma source(%arg7 : memref<16xf32, #tpu.memory_space<vmem>>) target(%dma_start3A_23 : memref<16xf32, #tpu.memory_space<hbm>>) target_semaphore(%run_scoped3A : memref<!tpu.dma_semaphore, #tpu.memory_space<semaphore_mem>>)
      %dma_wait3A = arith.constant 0 : i32
      %dma_wait3A_24 = tpu.memref_slice %arg4[%add3A, %dma_wait3A] : memref<32x16xf32, #tpu.memory_space<hbm>> -> memref<1x16xf32, #tpu.memory_space<hbm>>
      %dma_wait3A_25 = tpu.memref_squeeze %dma_wait3A_24 : memref<1x16xf32, #tpu.memory_space<hbm>> -> memref<16xf32, #tpu.memory_space<hbm>>
      %dma_wait3A_26 = arith.constant 0 : i32
      %dma_wait3A_27 = tpu.memref_slice %arg4[%add3A, %dma_wait3A_26] : memref<32x16xf32, #tpu.memory_space<hbm>> -> memref<1x16xf32, #tpu.memory_space<hbm>>
      %dma_wait3A_28 = tpu.memref_squeeze %dma_wait3A_27 : memref<1x16xf32, #tpu.memory_space<hbm>> -> memref<16xf32, #tpu.memory_space<hbm>>
      tpu.wait_dma2 semaphore(%run_scoped3A : memref<!tpu.dma_semaphore, #tpu.memory_space<semaphore_mem>>) src(%arg7 : memref<16xf32, #tpu.memory_space<vmem>>) dst(%dma_wait3A_28 : memref<16xf32, #tpu.memory_space<hbm>>)
      tpu.yield
    }) : () -> ()
    return
  }
}

</mosaic_0001>

<sc_bundles>
// kernel: kernel.3.cloned.1.call-start
scs
__scs_entry_jumppad:
0x0: {  	(pc) =	sbr.rel $0x88, $3  }
0x1: {  	(tag) =	ssettag $0x0;
	lr =	simm.s32 $0x1  }
0x2: {  	[smem:$0x3F9F] =	sst lr;
	_ =	strace $0xD0000000  }
0x3: {  	_ = 	snop  }
0x4: {  	_ = 	snop  }
0x5: {  	_ = 	snop  }
0x6: {  	_ = 	snop  }
0x7: {  	_ = 	snop  }
__scs_overlays_trampoline_lowered:
0x8: {  	[smem:$0x3FAE] =	sst s0  }
0x9: {  	[smem:$0x3FAF] =	sst s1  }
0xa: {  	[smem:$0x3FB0] =	sst s2  }
0xb: {  	[smem:$0x3FB1] =	sst s3  }
0xc: {  	[smem:$0x3FB2] =	sst s4  }
0xd: {  	[smem:$0x3FB3] =	sst s5  }
0xe: {  	[smem:$0x3FB4] =	sst s6  }
0xf: {  	[smem:$0x3FB5] =	sst s7  }
0x10: {  	[smem:$0x3FB6] =	sst s8  }
0x11: {  	[smem:$0x3FB7] =	sst s9;
	s0 =	simm.s32 @!p0 $0x0  }
0x12: {  	s1 =	sld [smem:$0x3F9D];
	s0 =	simm.s32 @p0 $0x1  }
0x13: {  	[smem:$0x3FB8] =	sst s0;
	s0 =	simm.s32 @!p1 $0x0  }
0x14: {  	s2 =	sld [smem:$0x3F9C];
	s0 =	simm.s32 @p1 $0x1  }
0x15: {  	[smem:$0x3FB9] =	sst s0;
	s0 =	simm.s32 @!p2 $0x0  }
0x16: {  	s3 =	sld [smem:$0x3FDB];
	s0 =	simm.s32 @p2 $0x1  }
0x17: {  	s4 =	simm.s32 $0x1BF5;
	[smem:$0x3FBB] =	sst s0  }
0x18: {  	s0 =	sld [smem:$0x3F9E];
	_ =	swait.ge [sflag:s4], $0x0  }
0x19: {  	s7 =	sld [smem:$0x3F9F]  }
0x1a: {  	s8 =	sadd.s32 $0xFFFFE003, lr  }
0x1b: {  	s9 =	sadd.s32 $0xFFFFFEF7, lr;
	s5 =	simm.s32 $0xFFFFFFFF;
	p2 =	slt.u32 s8, $0xFFFFF086  }
0x1c: {  	p1 =	slt.u32 s9, $0xF7A;
	s5 =	simm.s32 @!p2 $0x0  }
0x1d: {  	s5 =	simm.s32 @p1 $0x1;
	p0 =	seq.s32 s7, s2  }
0x1e: {  	s7 =	smul.u32 @!p0 $0xF7A, s2;
	p2 =	seq.s32 @!p0 s5, $0x0  }
0x1f: {  	s9 =	smul.u32 $0xF7A, s1;
	s8 =	simm.s32 @!p0 $0x1BF5;
	p2 =	por !p2, p0  }
0x20: {  	[sflag:s8] =	ssyncset.s32 @!p0 $0xFFFFF086;
	s6 =	sadd.s32 @!p0 s3, s7;
	s7 =	simm.s32 @!p0 $0x108  }
0x21: {  	s3 =	sadd.s32 s3, s9;
	s6 =	sadd.s32 @!p0 $0x88, s6;
	s7 =	simm.s32 @p2 $0x1082  }
0x22: {  	[simem:s7], [sflag:s8] =	dma.local @!p0 [hbm:s6], $0xF7A  }
0x23: {  	s9 =	sor.u32 $0xD0000000, s2;
	s6 =	simm.s32 $0x108;
	_ =	swait.ge @!p0 [sflag:s8], $0x0  }
0x24: {  	s3 =	sadd.s32 $0x88, s3;
	s6 =	simm.s32 @!p1 $0x1082;
	[sflag:s4] =	ssyncset.s32 $0xFFFFF086  }
0x25: {  	[simem:s6], [sflag:s4] =	dma.local [hbm:s3], $0xF7A  }
0x26: {  	[smem:$0x3F9F] =	sst s1;
	(tag) =	ssettag s2;
	_ =	strace s9  }
0x27: {  	s1 =	sld [smem:$0x3FAF]  }
0x28: {  	s2 =	sld [smem:$0x3FB0]  }
0x29: {  	s4 =	sld [smem:$0x3FB2]  }
0x2a: {  	p0 =	seq.s32 s5, $0x0;
	s5 =	sld [smem:$0x3FB3]  }
0x2b: {  	s6 =	sld [smem:$0x3FB4]  }
0x2c: {  	s7 =	sld [smem:$0x3FB5]  }
0x2d: {  	s3 =	simm.s32 $0x108;
	s8 =	sld [smem:$0x3FB6]  }
0x2e: {  	s3 =	simm.s32 @!p0 $0x1082;
	s9 =	sld [smem:$0x3FB7]  }
0x2f: {  	lr =	sadd.s32 s0, s3;
	s0 =	sld [smem:$0x3FAE]  }
0x30: {  	s3 =	sld [smem:$0x3FB1]  }
0x31: {  	[smem:$0x3FBA] =	sst s10  }
0x32: {  	s10 =	sld [smem:$0x3FB8];
	_ =	sdelay $0x3  }
0x33: {  	p0 =	seq.s32 s10, $0x1;
	s10 =	sld [smem:$0x3FBA];
	_ =	sdelay $0x3  }
0x34: {  	[smem:$0x3FBA] =	sst s10  }
0x35: {  	s10 =	sld [smem:$0x3FB9];
	_ =	sdelay $0x3  }
0x36: {  	p1 =	seq.s32 s10, $0x1;
	s10 =	sld [smem:$0x3FBA];
	_ =	sdelay $0x3  }
0x37: {  	[smem:$0x3FBA] =	sst s10  }
0x38: {  	s10 =	sld [smem:$0x3FBB]  }
0x39: {  	_ = 	snop;
	(pc) =	sbr.ind lr, $3  }
0x3a: {  	_ = 	snop  }
0x3b: {  	_ = 	snop  }
0x3c: {  	p2 =	seq.s32 s10, $0x1;
	s10 =	sld [smem:$0x3FBA]  }
0x3d: {  	_ =	shalt  }
0x3e: {  	_ =	shalt  }
0x3f: {  	_ =	shalt  }
0x40: {  	_ =	shalt  }
0x41: {  	_ =	shalt  }
0x42: {  	_ =	shalt  }
0x43: {  	_ =	shalt  }
0x44: {  	_ =	shalt  }
0x45: {  	_ =	shalt  }
0x46: {  	_ =	shalt  }
0x47: {  	_ =	shalt  }
0x48: {  	_ =	shalt  }
0x49: {  	_ =	shalt  }
0x4a: {  	_ =	shalt  }
0x4b: {  	_ =	shalt  }
0x4c: {  	_ =	shalt  }
0x4d: {  	_ =	shalt  }
0x4e: {  	_ =	shalt  }
0x4f: {  	_ =	shalt  }
0x50: {  	_ =	shalt  }
0x51: {  	_ =	shalt  }
0x52: {  	_ =	shalt  }
0x53: {  	_ =	shalt  }
0x54: {  	_ =	shalt  }
0x55: {  	_ =	shalt  }
0x56: {  	_ =	shalt  }
0x57: {  	_ =	shalt  }
0x58: {  	_ =	shalt  }
0x59: {  	_ =	shalt  }
0x5a: {  	_ =	shalt  }
0x5b: {  	_ =	shalt  }
0x5c: {  	_ =	shalt  }
0x5d: {  	_ =	shalt  }
0x5e: {  	_ =	shalt  }
0x5f: {  	_ =	shalt  }
0x60: {  	_ =	shalt  }
0x61: {  	_ =	shalt  }
0x62: {  	_ =	shalt  }
0x63: {  	_ =	shalt  }
0x64: {  	_ =	shalt  }
0x65: {  	_ =	shalt  }
0x66: {  	_ =	shalt  }
0x67: {  	_ =	shalt  }
0x68: {  	_ =	shalt  }
0x69: {  	_ =	shalt  }
0x6a: {  	_ =	shalt  }
0x6b: {  	_ =	shalt  }
0x6c: {  	_ =	shalt  }
0x6d: {  	_ =	shalt  }
0x6e: {  	_ =	shalt  }
0x6f: {  	_ =	shalt  }
0x70: {  	_ =	shalt  }
0x71: {  	_ =	shalt  }
0x72: {  	_ =	shalt  }
0x73: {  	_ =	shalt  }
0x74: {  	_ =	shalt  }
0x75: {  	_ =	shalt  }
0x76: {  	_ =	shalt  }
0x77: {  	_ =	shalt  }
0x78: {  	_ =	shalt  }
0x79: {  	_ =	shalt  }
0x7a: {  	_ =	shalt  }
0x7b: {  	_ =	shalt  }
0x7c: {  	_ =	shalt  }
0x7d: {  	_ =	shalt  }
0x7e: {  	_ =	shalt  }
0x7f: {  	_ =	shalt  }
0x80: {  	_ =	shalt  }
0x81: {  	_ =	shalt  }
0x82: {  	_ =	shalt  }
0x83: {  	_ =	shalt  }
0x84: {  	_ =	shalt  }
0x85: {  	_ =	shalt  }
0x86: {  	_ =	shalt  }
0x87: {  	_ =	shalt  }
.Lfunc_end0:
.L_simem_size_0:
called_computation_lowered:
.L_overlay_start_0:
0x88: {  	s2 =	sld [smem:$0x3FD9]  }
0x89: {  	s3 =	sld [smem:$0x3FFE];
	_ =	sdelay $0x1  }
0x8a: {  	s1 =	srdreg.scid  }
0x8b: {  	s0 =	sand.u32 $0x1, s1  }
0x8c: {  	s17 =	sshll.u32 s0, $0xA;
	s2 =	sadd.s32 s3, s2  }
0x8d: {  	s2 =	sadd.s32 s2, s17  }
0x8e: {  	[smem:$0x3FC6] =	sst s2  }
0x8f: {  	_ = 	snop  }
0x90: {  	s2 =	sld [smem:$0x3FC9]  }
0x91: {  	s18 =	sld [smem:$0x3FC8];
	(tm) =	ssettm $0x1  }
0x92: {  	s4 =	sld [smem:$0x3FFB];
	_ =	sdelay $0x3  }
0x93: {  	_ =	strace s4  }
0x94: {  	s4 =	sld [smem:$0x3FFC];
	_ =	sdelay $0x3  }
0x95: {  	_ =	strace s4  }
0x96: {  	s4 =	sld [smem:$0x3FFD];
	_ =	sdelay $0x3  }
0x97: {  	_ =	strace s4  }
0x98: {  	_ =	strace $0x8FFFFFFF  }
0x99: {  	s19 =	sld [smem:$0x3FDB];
	_ =	sdelay $0x1  }
0x9a: {  	s5 =	simm.s32 $_scs_section_size  }
0x9b: {  	s6 =	simm.s32 $_size__tile_overlayer_lowered;
	s7 =	simm.s32 $_tile_overlayer_lowered  }
0x9c: {  	s22 =	simm.s32 $0x1BFF;
	s21 =	sshll.u32 s7, $0x1;
	s4 =	sadd.s32 s5, s19  }
0x9d: {  	s8 =	simm.s32 $0x0;
	s20 =	sshll.u32 s6, $0x1;
	s6 =	sadd.s32 s21, s4  }
0x9e: {  	[timem:s8], [sflag:s22] =	dma.local [hbm:s6], s20  }
0x9f: {  	_ =	swait.ge [sflag:s22], s20  }
0xa0: {  	s5 =	ssub.s32 $0x0, s20;
	[sflag:s22] =	ssyncset.done $0x0  }
0xa1: {  	[sflag:s22] =	ssyncadd.s32 s5;
	_ =	sdelay $0x1  }
0xa2: {  	s23 =	simm.s32 $0x1B8B  }
0xa3: {  	_ =	swait.ge [sflag:s23], $0x1  }
0xa4: {  	[sflag:s23] =	ssyncset.done $0x0  }
0xa5: {  	s25 =	simm.s32 $0x1B8E;
	s24 =	sld [smem:$0x3FFE];
	[sflag:s23] =	ssyncadd.s32 $0xFFFFFFFF  }
0xa6: {  	s26 =	simm.s32 $execute0_lowered;
	[smem:$0x3FD2] =	sst s25  }
0xa7: {  	s6 =	sshll.u32 s26, $0x1;
	_ =	strace $0x80000046;
	[dreg:$0x1] =	wrdreg $0xFFFFFFFF  }
0xa8: {  	s28 =	simm.s32 $_size_execute0_lowered;
	s4 =	sadd.s32 s4, s6;
	[dreg:$0x0] =	wrdreg $0x0  }
0xa9: {  	s6 =	sshll.u32 s28, $0x1;
	[dreg:$0x2] =	wrdreg s4  }
0xaa: {  	[dreg:$0x3] =	wrdreg s6  }
0xab: {  	[dreg:$0x4] =	wrdreg $0xC0  }
0xac: {  	_ =	task [dreg:s8], $0x5FFFF  }
0xad: {  	[dreg:$0x1] =	wrdreg $0xFFFFFFFF  }
0xae: {  	[dreg:$0x0] =	wrdreg $0x60  }
0xaf: {  	[dreg:$0x2] =	wrdreg s2  }
0xb0: {  	[dreg:$0x3] =	wrdreg s18  }
0xb1: {  	[dreg:$0x4] =	wrdreg s24  }
0xb2: {  	[dreg:$0x5] =	wrdreg $0x9  }
0xb3: {  	_ =	task.clear_ibuf [dreg:s8], $0x6FFFF;
	_ =	strace $0x90000046  }
0xb4: {  	s29 =	simm.s32 $0x9;
	_ =	strace $0x80000048  }
0xb5: {  	_ =	swait.ge [sflag:s29], $0x1  }
0xb6: {  	[sflag:s29] =	ssyncadd.s32 $0xFFFFFFFF  }
0xb7: {  	_ =	strace $0x90000048  }
0xb8: {  	_ =	sfence  }
0xb9: {  	s30 =	sld [smem:$0x0];
	_ =	sdelay $0x2  }
0xba: {  	s31 =	sshll.u32 s1, $0xD;
	s1 =	sshrl.u32 s1, $0x2  }
0xbb: {  	s3 =	sand.u32 $0x4000, s31;
	s1 =	sadd.s32 s1, s30  }
0xbc: {  	s0 =	sor.u32 s3, s0;
	s1 =	sshll.u32 s1, $0x11  }
0xbd: {  	s0 =	sor.u32 s1, s0  }
0xbe: {  	s0 =	sadd.s32 $0x8F2B, s0  }
0xbf: {  	[sflag:s0] =	ssyncadd.remote.s32 $0x1  }
0xc0: {  	_ =	sfence.sel $0xFFFF  }
0xc1: {  	[dreg:$0x0] =	wrdreg $0xFFFFFFFF;
	(pc) =	sbr.abs _section_cstart, $3  }
0xc2: {  	[dreg:$0x1] =	wrdreg $0xFFFFFFFF  }
0xc3: {  	_ =	task.clear_ibuf [dreg:s8], $0x2FFFF;
	_ =	strace $0x9FFFFFFF  }
0xc4: {  	(tm) =	ssettm $0x7FFFFFFF  }
0xc5: {  	_ =	shalt  }
tec
execute0_lowered:
.L_overlay_start_1:
0x0: {  	(tag) =	ssettag $0x1  }
0x1: {  	s4 =	rddreg [dreg:$0x0]  }
0x2: {  	s3 =	rddreg [dreg:$0x1]  }
0x3: {  	s5 =	rddreg [dreg:$0x2]  }
0x4: {  	s0 =	rddreg [dreg:$0x3];
	s6 =	srdreg.scid  }
0x5: {  	s2 =	simm.s32 $0x0;
	s1 =	stileid.u32;
	v0 =	vimm.s32 $0x7;
	v1 =	vimm.s32 $0x0;
	v12 =	vlaneseq.u32;
	s6 =	sand.u32 $0x1, s6  }
0x6: {  	vm0 =	vmmov $0x1;
	v3 =	vimm.s32 $0x1;
	v4 =	vimm.s32 $0x2;
	[smem:$0x7FF] =	sst s2;
	s8 =	sshll.u32 s1, $0x1;
	s7 =	ssub.s32 $0x2, s6  }
0x7: {  	v5 =	vimm.s32 $0x3;
	v6 =	vimm.s32 $0x4;
	v7 =	vimm.s32 $0x5;
	_ =	strace $0x80000047;
	s6 =	sor.u32 s6, s8;
	s9 =	sshrl.u32 s7, $0x1  }
0x8: {  	v8 =	vimm.s32 $0x6;
	v9 =	vimm.s32 $0x8;
	v10 =	vimm.s32 $0x9;
	s8 =	sshll.u32 s6, $0x9;
	s31 =	sshll.u32 s6, $0x6;
	s6 =	sshll.u32 s6, $0x4  }
0x9: {  	v11 =	vimm.s32 $0xA;
	v2 =	vmul.u32 $0x8, v12;
	v12 =	vmul.u32 $0x81, v12;
	s7 =	ssub.s32 s7, s9;
	s3 =	sadd.s32 s3, s31;
	s4 =	sadd.s32 s4, s8  }
0xa: {  	v13 =	vimm.s32 $0xB;
	v14 =	vimm.s32 $0xC;
	v15 =	vimm.s32 $0xD;
	s8 =	simm.s32 $0x0;
	[dreg:$0x4] =	wrdreg s4;
	s4 =	sadd.s32 s5, s6  }
0xb: {  	v16 =	vimm.s32 $0xE;
	v17 =	vimm.s32 $0xF;
	v18 =	vadd.s32 $0x810, v12;
	s5 =	smax.u32 s7, $0x1;
	s6 =	simm.s32 $0x11;
	s7 =	simm.s32 $0x10200  }
.LBB2_1:
0xc: {  	[tilespmem:s2], [sflag:$0x11] =	stream.linear.gather [hbm4b:s3+s2], $0x200, $0x38;
	[tilespmem:$0x10280] =	vst v63  }
0xd: {  	s9 =	simm.s32 $0x1;
	_ =	swait.ge [sflag:s6], $0x200  }
0xe: {  	s10 =	simm.s32 $0x10;
	s11 =	simm.s32 $0x0;
	[sflag:s6] =	ssyncset.done $0x0  }
0xf: {  	s12 =	simm.s32 $0x1;
	s13 =	simm.s32 $0x0;
	[sflag:s6] =	ssyncadd.s32 $0xFFFFFE00  }
.LBB2_2:
0x10: {  	v19 =	vld [tilespmem:s10+$0xFFFFFFF0];
	_ =	sdelay $0x4  }
0x11: {  	v20 =	vshll.u32 v19, $0x7  }
0x12: {  	v19 =	vand.u32 $0x7, v19;
	v20 =	vand.u32 $0xFFFFFC00, v20  }
0x13: {  	v19 =	vor.u32 v19, v20  }
0x14: {  	v20 =	vperm.xlane v19, v1;
	_ =	sdelay $0x1  }
0x15: {  	v21 =	vperm.xlane v19, v3;
	v20 =	vadd.s32 v2, v20;
	_ =	sdelay $0x1  }
0x16: {  	v22 =	vperm.xlane v19, v4;
	v21 =	vadd.s32 v2, v21  }
0x17: {  	s14 =	rddreg [dreg:$0x4];
	s15 =	sshra.s32 s13, $0x2;
	s16 =	sand.u32 $0x180, s11  }
0x18: {  	s17 =	sadd.s32 $0x200, s15;
	s16 =	sadd.s32 s16, s14;
	s14 =	simm.s32 $0x0;
	v23 =	vperm.xlane v19, v5;
	v22 =	vadd.s32 v2, v22  }
0x19: {  	[tilespmem:s17], [sflag:s12] =	stream.indirect_vreg.gather [hbm4b:s16+s14], $0x80, v20, vm0, $0xb8;
	[tilespmem:$0x10280] =	vst v63  }
0x1a: {  	s28 =	sadd.s32 $0x280, s15;
	v63 =	vperm.xlane v19, v6;
	v20 =	vadd.s32 v2, v23  }
0x1b: {  	[tilespmem:s28], [sflag:s12] =	stream.indirect_vreg.gather [hbm4b:s16+s14], $0x80, v21, vm0, $0xb8;
	[tilespmem:$0x10280] =	vst v63  }
0x1c: {  	s29 =	sadd.s32 $0x300, s15;
	v25 =	vperm.xlane v19, v7;
	v24 =	vadd.s32 v2, v63  }
0x1d: {  	[tilespmem:s29], [sflag:s12] =	stream.indirect_vreg.gather [hbm4b:s16+s14], $0x80, v22, vm0, $0xb8;
	[tilespmem:$0x10280] =	vst v63  }
0x1e: {  	s30 =	sadd.s32 $0x380, s15;
	v27 =	vperm.xlane v19, v8;
	v26 =	vadd.s32 v2, v25  }
0x1f: {  	[tilespmem:s30], [sflag:s12] =	stream.indirect_vreg.gather [hbm4b:s16+s14], $0x80, v20, vm0, $0xb8;
	[tilespmem:$0x10280] =	vst v63  }
0x20: {  	s31 =	sadd.s32 $0x400, s15;
	v28 =	vperm.xlane v19, v0;
	v20 =	vadd.s32 v2, v27  }
0x21: {  	[tilespmem:s31], [sflag:s12] =	stream.indirect_vreg.gather [hbm4b:s16+s14], $0x80, v24, vm0, $0xb8;
	[tilespmem:$0x10280] =	vst v63  }
0x22: {  	s18 =	sadd.s32 $0x480, s15;
	v30 =	vperm.xlane v19, v9;
	v29 =	vadd.s32 v2, v28  }
0x23: {  	[tilespmem:s18], [sflag:s12] =	stream.indirect_vreg.gather [hbm4b:s16+s14], $0x80, v26, vm0, $0xb8;
	[tilespmem:$0x10280] =	vst v63  }
0x24: {  	s19 =	sadd.s32 $0x500, s15;
	v32 =	vperm.xlane v19, v10;
	v31 =	vadd.s32 v2, v30  }
0x25: {  	[tilespmem:s19], [sflag:s12] =	stream.indirect_vreg.gather [hbm4b:s16+s14], $0x80, v20, vm0, $0xb8;
	[tilespmem:$0x10280] =	vst v63  }
0x26: {  	s20 =	sadd.s32 $0x580, s15;
	v33 =	vperm.xlane v19, v11;
	v20 =	vadd.s32 v2, v32  }
0x27: {  	[tilespmem:s20], [sflag:s12] =	stream.indirect_vreg.gather [hbm4b:s16+s14], $0x80, v29, vm0, $0xb8;
	[tilespmem:$0x10280] =	vst v63  }
0x28: {  	s21 =	sadd.s32 $0x600, s15;
	v35 =	vperm.xlane v19, v13;
	v34 =	vadd.s32 v2, v33  }
0x29: {  	[tilespmem:s21], [sflag:s12] =	stream.indirect_vreg.gather [hbm4b:s16+s14], $0x80, v31, vm0, $0xb8;
	[tilespmem:$0x10280] =	vst v63  }
0x2a: {  	s22 =	sadd.s32 $0x680, s15;
	v37 =	vperm.xlane v19, v14;
	v36 =	vadd.s32 v2, v35  }
0x2b: {  	[tilespmem:s22], [sflag:s12] =	stream.indirect_vreg.gather [hbm4b:s16+s14], $0x80, v20, vm0, $0xb8;
	[tilespmem:$0x10280] =	vst v63  }
0x2c: {  	s23 =	sadd.s32 $0x700, s15;
	v38 =	vperm.xlane v19, v15;
	v20 =	vadd.s32 v2, v37  }
0x2d: {  	[tilespmem:s23], [sflag:s12] =	stream.indirect_vreg.gather [hbm4b:s16+s14], $0x80, v34, vm0, $0xb8;
	[tilespmem:$0x10280] =	vst v63  }
0x2e: {  	s24 =	sadd.s32 $0x780, s15;
	v40 =	vperm.xlane v19, v16;
	v39 =	vadd.s32 v2, v38  }
0x2f: {  	[tilespmem:s24], [sflag:s12] =	stream.indirect_vreg.gather [hbm4b:s16+s14], $0x80, v36, vm0, $0xb8;
	[tilespmem:$0x10280] =	vst v63  }
0x30: {  	s25 =	sadd.s32 $0x800, s15;
	v19 =	vperm.xlane v19, v17;
	v41 =	vadd.s32 v2, v40  }
0x31: {  	[tilespmem:s25], [sflag:s12] =	stream.indirect_vreg.gather [hbm4b:s16+s14], $0x80, v20, vm0, $0xb8;
	[tilespmem:$0x10280] =	vst v63  }
0x32: {  	s26 =	sadd.s32 $0x880, s15;
	v19 =	vadd.s32 v2, v19  }
0x33: {  	[tilespmem:s26], [sflag:s12] =	stream.indirect_vreg.gather [hbm4b:s16+s14], $0x80, v39, vm0, $0xb8;
	[tilespmem:$0x10280] =	vst v63  }
0x34: {  	s28 =	sadd.s32 $0x900, s15  }
0x35: {  	[tilespmem:s28], [sflag:s12] =	stream.indirect_vreg.gather [hbm4b:s16+s14], $0x80, v41, vm0, $0xb8;
	[tilespmem:$0x10280] =	vst v63  }
0x36: {  	s29 =	sadd.s32 $0x980, s15  }
0x37: {  	[tilespmem:s29], [sflag:s12] =	stream.indirect_vreg.gather [hbm4b:s16+s14], $0x80, v19, vm0, $0xb8;
	[tilespmem:$0x10280] =	vst v63  }
0x38: {  	v19 =	vld [tilespmem:s10+$0x0];
	_ =	sdelay $0x4  }
0x39: {  	v20 =	vshll.u32 v19, $0x7  }
0x3a: {  	v19 =	vand.u32 $0x7, v19;
	v20 =	vand.u32 $0xFFFFFC00, v20  }
0x3b: {  	v19 =	vor.u32 v19, v20  }
0x3c: {  	v20 =	vperm.xlane v19, v1;
	_ =	sdelay $0x1  }
0x3d: {  	v42 =	vperm.xlane v19, v3;
	v20 =	vadd.s32 v2, v20;
	_ =	sdelay $0x1  }
0x3e: {  	v43 =	vperm.xlane v19, v4;
	v21 =	vadd.s32 v2, v42;
	_ =	sdelay $0x1  }
0x3f: {  	s30 =	sadd.s32 $0xA00, s15;
	v44 =	vperm.xlane v19, v5;
	v22 =	vadd.s32 v2, v43  }
0x40: {  	[tilespmem:s30], [sflag:s12] =	stream.indirect_vreg.gather [hbm4b:s16+s14], $0x80, v20, vm0, $0xb8;
	[tilespmem:$0x10280] =	vst v63  }
0x41: {  	s31 =	sadd.s32 $0xA80, s15;
	v45 =	vperm.xlane v19, v6;
	v20 =	vadd.s32 v2, v44  }
0x42: {  	[tilespmem:s31], [sflag:s12] =	stream.indirect_vreg.gather [hbm4b:s16+s14], $0x80, v21, vm0, $0xb8;
	[tilespmem:$0x10280] =	vst v63  }
0x43: {  	s18 =	sadd.s32 $0xB00, s15;
	v47 =	vperm.xlane v19, v7;
	v46 =	vadd.s32 v2, v45  }
0x44: {  	[tilespmem:s18], [sflag:s12] =	stream.indirect_vreg.gather [hbm4b:s16+s14], $0x80, v22, vm0, $0xb8;
	[tilespmem:$0x10280] =	vst v63  }
0x45: {  	s19 =	sadd.s32 $0xB80, s15;
	v49 =	vperm.xlane v19, v8;
	v48 =	vadd.s32 v2, v47  }
0x46: {  	[tilespmem:s19], [sflag:s12] =	stream.indirect_vreg.gather [hbm4b:s16+s14], $0x80, v20, vm0, $0xb8;
	[tilespmem:$0x10280] =	vst v63  }
0x47: {  	s20 =	sadd.s32 $0xC00, s15;
	v50 =	vperm.xlane v19, v0;
	v20 =	vadd.s32 v2, v49  }
0x48: {  	[tilespmem:s20], [sflag:s12] =	stream.indirect_vreg.gather [hbm4b:s16+s14], $0x80, v46, vm0, $0xb8;
	[tilespmem:$0x10280] =	vst v63  }
0x49: {  	s21 =	sadd.s32 $0xC80, s15;
	v52 =	vperm.xlane v19, v9;
	v51 =	vadd.s32 v2, v50  }
0x4a: {  	[tilespmem:s21], [sflag:s12] =	stream.indirect_vreg.gather [hbm4b:s16+s14], $0x80, v48, vm0, $0xb8;
	[tilespmem:$0x10280] =	vst v63  }
0x4b: {  	s22 =	sadd.s32 $0xD00, s15;
	v54 =	vperm.xlane v19, v10;
	v53 =	vadd.s32 v2, v52  }
0x4c: {  	[tilespmem:s22], [sflag:s12] =	stream.indirect_vreg.gather [hbm4b:s16+s14], $0x80, v20, vm0, $0xb8;
	[tilespmem:$0x10280] =	vst v63  }
0x4d: {  	s23 =	sadd.s32 $0xD80, s15;
	v55 =	vperm.xlane v19, v11;
	v20 =	vadd.s32 v2, v54  }
0x4e: {  	[tilespmem:s23], [sflag:s12] =	stream.indirect_vreg.gather [hbm4b:s16+s14], $0x80, v51, vm0, $0xb8;
	[tilespmem:$0x10280] =	vst v63  }
0x4f: {  	s24 =	sadd.s32 $0xE00, s15;
	v57 =	vperm.xlane v19, v13;
	v56 =	vadd.s32 v2, v55  }
0x50: {  	[tilespmem:s24], [sflag:s12] =	stream.indirect_vreg.gather [hbm4b:s16+s14], $0x80, v53, vm0, $0xb8;
	[tilespmem:$0x10280] =	vst v63  }
0x51: {  	s25 =	sadd.s32 $0xE80, s15;
	v59 =	vperm.xlane v19, v14;
	v58 =	vadd.s32 v2, v57  }
0x52: {  	[tilespmem:s25], [sflag:s12] =	stream.indirect_vreg.gather [hbm4b:s16+s14], $0x80, v20, vm0, $0xb8;
	[tilespmem:$0x10280] =	vst v63  }
0x53: {  	s26 =	sadd.s32 $0xF00, s15;
	v60 =	vperm.xlane v19, v15;
	v20 =	vadd.s32 v2, v59  }
0x54: {  	[tilespmem:s26], [sflag:s12] =	stream.indirect_vreg.gather [hbm4b:s16+s14], $0x80, v56, vm0, $0xb8;
	[tilespmem:$0x10280] =	vst v63  }
0x55: {  	s28 =	sadd.s32 $0xF80, s15;
	v62 =	vperm.xlane v19, v16;
	v61 =	vadd.s32 v2, v60  }
0x56: {  	[tilespmem:s28], [sflag:s12] =	stream.indirect_vreg.gather [hbm4b:s16+s14], $0x80, v58, vm0, $0xb8;
	[tilespmem:$0x10280] =	vst v63  }
0x57: {  	s29 =	sadd.s32 $0x1000, s15;
	v19 =	vperm.xlane v19, v17;
	v63 =	vadd.s32 v2, v62  }
0x58: {  	[tilespmem:s29], [sflag:s12] =	stream.indirect_vreg.gather [hbm4b:s16+s14], $0x80, v20, vm0, $0xb8;
	[tilespmem:$0x10280] =	vst v63  }
0x59: {  	p0 =	sne.s32 s13, $0x3C000;
	v19 =	vadd.s32 v2, v19;
	s30 =	sadd.s32 $0x1080, s15  }
0x5a: {  	[tilespmem:s30], [sflag:s12] =	stream.indirect_vreg.gather [hbm4b:s16+s14], $0x80, v61, vm0, $0xb8;
	[tilespmem:$0x10280] =	vst v63  }
.Ltmp0:
0x5b: {  	s31 =	sadd.s32 $0x1100, s15;
	(pc) =	sbr.rel @p0 .LBB2_2-.Ltmp0, $4  }
0x5c: {  	[tilespmem:s31], [sflag:s12] =	stream.indirect_vreg.gather [hbm4b:s16+s14], $0x80, v63, vm0, $0xb8;
	[tilespmem:$0x10280] =	vst v63  }
0x5d: {  	s11 =	sadd.s32 $0x20, s11;
	s15 =	sadd.s32 $0x1180, s15  }
0x5e: {  	[tilespmem:s15], [sflag:s12] =	stream.indirect_vreg.gather [hbm4b:s16+s14], $0x80, v19, vm0, $0xb8;
	[tilespmem:$0x10280] =	vst v63  }
0x5f: {  	s13 =	sadd.s32 $0x4000, s13;
	s10 =	sadd.s32 $0x20, s10;
	s12 =	sadd.s32 $0x1, s12  }
0x60: {  	s10 =	sand.u32 $0x60, s14  }
0x61: {  	v19 =	vor.u32 s10, v12;
	_ =	sdelay $0x1  }
0x62: {  	_ =	swait.ge [sflag:s9], $0x1000  }
0x63: {  	[sflag:s9] =	ssyncset.done $0x0  }
0x64: {  	s26 =	simm.s32 $0x200;
	[sflag:s9] =	ssyncadd.s32 $0xFFFFF000  }
0x65: {  	v20 =	vor.u32 s10, v18;
	v19 =	vld.idx.msk [tilespmem:v19+s26+$0x0], $0xffff;
	_ =	sdelay $0x3  }
0x66: {  	s28 =	simm.s32 $0x20  }
0x67: {  	s9 =	sand.u32 $0x60, s28;
	v22 =	vld.idx.msk [tilespmem:v20+s26+$0x0], $0xffff;
	v20 =	vand.u32 $0x7FFFFF, v19  }
0x68: {  	v21 =	vor.u32 s9, v12;
	v23 =	vor.u32 $0x3F800000, v20  }
0x69: {  	s29 =	simm.s32 $0x2;
	v24 =	vmul.f32 $3.010224740e-02, v23  }
0x6a: {  	_ =	swait.ge [sflag:s29], $0x1000  }
0x6b: {  	[sflag:s29] =	ssyncset.done $0x0;
	v24 =	vadd.f32 $-2.806291580e-01, v24  }
0x6c: {  	s30 =	simm.s32 $0x1200;
	[sflag:s29] =	ssyncadd.s32 $0xFFFFF000;
	v25 =	vand.u32 $0x7FFFFF, v22  }
0x6d: {  	v27 =	vld.idx.msk [tilespmem:v21+s30+$0x0], $0xffff;
	v20 =	vor.u32 s9, v18;
	v25 =	vor.u32 $0x3F800000, v25;
	v21 =	vmul.f32 v23, v24  }
0x6e: {  	v26 =	vmul.f32 $3.010224740e-02, v25  }
0x6f: {  	v21 =	vadd.f32 $1.104796530e+00, v21  }
0x70: {  	v26 =	vadd.f32 $-2.806291580e-01, v26  }
0x71: {  	v24 =	vshrl.u32 v19, $0x17;
	v21 =	vmul.f32 v23, v21  }
0x72: {  	v19 =	vld.idx.msk [tilespmem:v20+s30+$0x0], $0xffff;
	v20 =	vadd.s32 $0xFFFFFF81, v24;
	v24 =	vmul.f32 v25, v26  }
0x73: {  	v22 =	vshrl.u32 v22, $0x17;
	v20 =	vcvt.s32.f32 v20;
	v26 =	vadd.f32 $-2.420793060e+00, v21  }
0x74: {  	s31 =	simm.s32 $0x40;
	v22 =	vadd.s32 $0xFFFFFF81, v22;
	v24 =	vadd.f32 $1.104796530e+00, v24  }
0x75: {  	s9 =	sand.u32 $0x60, s31;
	v28 =	vmul.f32 $6.931471820e-01, v20;
	v20 =	vand.u32 $0x7FFFFF, v27;
	v26 =	vmul.f32 v23, v26  }
0x76: {  	v30 =	vor.u32 s9, v12;
	v24 =	vmul.f32 v25, v24;
	v21 =	vor.u32 $0x3F800000, v20  }
0x77: {  	v31 =	vor.u32 s9, v18;
	v32 =	vmul.f32 $3.010224740e-02, v21;
	v26 =	vadd.f32 $3.498211860e+00, v26  }
0x78: {  	s9 =	simm.s32 $0x3;
	v63 =	vcvt.s32.f32 v22;
	v29 =	vand.u32 $0x7FFFFF, v19;
	v24 =	vadd.f32 $-2.420793060e+00, v24  }
0x79: {  	_ =	swait.ge [sflag:s9], $0x1000;
	v20 =	vor.u32 $0x3F800000, v29;
	v29 =	vadd.f32 $-2.806291580e-01, v32;
	v23 =	vmul.f32 v23, v26  }
0x7a: {  	[sflag:s9] =	ssyncset.done $0x0;
	v61 =	vmul.f32 $3.010224740e-02, v20;
	v33 =	vmul.f32 v25, v24  }
0x7b: {  	s10 =	simm.s32 $0x2200;
	[sflag:s9] =	ssyncadd.s32 $0xFFFFF000;
	v27 =	vshrl.u32 v27, $0x17;
	v29 =	vmul.f32 v21, v29;
	v23 =	vadd.f32 $-1.931666370e+00, v23  }
0x7c: {  	v27 =	vadd.s32 $0xFFFFFF81, v27;
	v32 =	vadd.f32 $-2.806291580e-01, v61;
	v24 =	vld.idx.msk [tilespmem:v30+s10+$0x0], $0xffff;
	v26 =	vadd.f32 $3.498211860e+00, v33  }
0x7d: {  	v27 =	vcvt.s32.f32 v27;
	v29 =	vadd.f32 $1.104796530e+00, v29;
	v34 =	vadd.f32 v23, v28;
	v23 =	vld.idx.msk [tilespmem:v31+s10+$0x0], $0xffff  }
0x7e: {  	v30 =	vmul.f32 v20, v32;
	v25 =	vmul.f32 v25, v26  }
0x7f: {  	v62 =	vimm.f32 $0.0e+00;
	v22 =	vmul.f32 $6.931471820e-01, v27;
	v29 =	vmul.f32 v21, v29  }
0x80: {  	v26 =	vadd.f32 $1.104796530e+00, v30;
	v27 =	vadd.f32 $-1.931666370e+00, v25;
	v28 =	vmul.f32 $6.931471820e-01, v63  }
0x81: {  	s11 =	simm.s32 $0x60;
	v30 =	vand.u32 $0x7FFFFF, v24;
	v29 =	vadd.f32 $-2.420793060e+00, v29;
	v25 =	vadd.f32 v34, v62  }
.LBB2_4:
0x82: {  	s12 =	sand.u32 $0x60, s11;
	p0 =	sne.s32 s11, $0x1E0;
	s11 =	sadd.s32 $0x20, s11;
	v31 =	vand.u32 $0x7FFFFF, v23;
	v26 =	vmul.f32 v20, v26;
	v27 =	vadd.f32 v27, v28  }
0x83: {  	v30 =	vor.u32 $0x3F800000, v30;
	v28 =	vor.u32 s12, v12;
	v29 =	vmul.f32 v21, v29  }
0x84: {  	s9 =	sadd.s32 $0x1, s9;
	v32 =	vor.u32 s12, v18;
	v33 =	vmul.f32 $3.010224740e-02, v30;
	v25 =	vadd.f32 v27, v25  }
0x85: {  	v24 =	vshrl.u32 v24, $0x17;
	v27 =	vor.u32 $0x3F800000, v31;
	v26 =	vadd.f32 $-2.420793060e+00, v26;
	_ =	swait.ge [sflag:s9], $0x1000  }
0x86: {  	v31 =	vadd.f32 $-2.806291580e-01, v33;
	v33 =	vmul.f32 $3.010224740e-02, v27;
	v29 =	vadd.f32 $3.498211860e+00, v29;
	[sflag:s9] =	ssyncset.done $0x0  }
0x87: {  	s10 =	sadd.s32 $0x1000, s10;
	v35 =	vshrl.u32 v19, $0x17;
	v19 =	vmovc v23;
	v34 =	vadd.s32 $0xFFFFFF81, v24;
	v26 =	vmul.f32 v20, v26;
	[sflag:s9] =	ssyncadd.s32 $0xFFFFF000  }
0x88: {  	v29 =	vmul.f32 v21, v29;
	v21 =	vmovc v30;
	v24 =	vld.idx.msk [tilespmem:v28+s10+$0x0], $0xffff;
	v28 =	vmul.f32 v30, v31;
	v31 =	vadd.f32 $-2.806291580e-01, v33  }
0x89: {  	v30 =	vcvt.s32.f32 v34;
	v26 =	vadd.f32 $3.498211860e+00, v26;
	v23 =	vld.idx.msk [tilespmem:v32+s10+$0x0], $0xffff;
	v32 =	vadd.s32 $0xFFFFFF81, v35  }
.Ltmp1:
0x8a: {  	v29 =	vadd.f32 $-1.931666370e+00, v29;
	v28 =	vadd.f32 $1.104796530e+00, v28;
	v31 =	vmul.f32 v27, v31;
	(pc) =	sbr.rel @p0 .LBB2_4-.Ltmp1, $4  }
0x8b: {  	v33 =	vmul.f32 v20, v26;
	v32 =	vcvt.s32.f32 v32;
	v20 =	vmov v27  }
0x8c: {  	v34 =	vmul.f32 v21, v28;
	v26 =	vadd.f32 $1.104796530e+00, v31;
	v31 =	vadd.f32 v29, v22  }
0x8d: {  	v22 =	vmul.f32 $6.931471820e-01, v30;
	v27 =	vadd.f32 $-1.931666370e+00, v33;
	v28 =	vmul.f32 $6.931471820e-01, v32  }
0x8e: {  	v30 =	vand.u32 $0x7FFFFF, v24;
	v29 =	vadd.f32 $-2.420793060e+00, v34;
	v25 =	vadd.f32 v31, v25  }
0x8f: {  	v30 =	vor.u32 $0x3F800000, v30  }
0x90: {  	v31 =	vand.u32 $0x7FFFFF, v23;
	v32 =	vmul.f32 $3.010224740e-02, v30  }
0x91: {  	v31 =	vor.u32 $0x3F800000, v31  }
0x92: {  	v33 =	vmul.f32 $3.010224740e-02, v31;
	v32 =	vadd.f32 $-2.806291580e-01, v32;
	_ =	sdelay $0x1  }
0x93: {  	v33 =	vadd.f32 $-2.806291580e-01, v33;
	v32 =	vmul.f32 v30, v32  }
0x94: {  	v26 =	vmul.f32 v20, v26  }
0x95: {  	v27 =	vadd.f32 v27, v28;
	v55 =	vmul.f32 v31, v33;
	v54 =	vadd.f32 $1.104796530e+00, v32  }
0x96: {  	v24 =	vshrl.u32 v24, $0x17;
	v29 =	vmul.f32 v21, v29;
	v26 =	vadd.f32 $-2.420793060e+00, v26  }
0x97: {  	v19 =	vshrl.u32 v19, $0x17;
	v32 =	vadd.f32 $1.104796530e+00, v55;
	v28 =	vmul.f32 v30, v54  }
0x98: {  	v60 =	vshrl.u32 v23, $0x17;
	v29 =	vadd.f32 $3.498211860e+00, v29;
	v26 =	vmul.f32 v20, v26  }
0x99: {  	v24 =	vadd.s32 $0xFFFFFF81, v24;
	v57 =	vmul.f32 v31, v32;
	v28 =	vadd.f32 $-2.420793060e+00, v28  }
0x9a: {  	v19 =	vadd.s32 $0xFFFFFF81, v19;
	v56 =	vmul.f32 v21, v29;
	v26 =	vadd.f32 $3.498211860e+00, v26  }
0x9b: {  	v24 =	vcvt.s32.f32 v24;
	v29 =	vadd.f32 $-2.420793060e+00, v57;
	v28 =	vmul.f32 v30, v28  }
0x9c: {  	v19 =	vcvt.s32.f32 v19;
	v21 =	vadd.f32 $-1.931666370e+00, v56;
	v20 =	vmul.f32 v20, v26  }
0x9d: {  	v25 =	vadd.f32 v27, v25;
	v59 =	vmul.f32 v31, v29;
	v58 =	vadd.f32 $3.498211860e+00, v28  }
0x9e: {  	v19 =	vmul.f32 $6.931471820e-01, v19;
	v21 =	vadd.f32 v21, v22;
	v20 =	vadd.f32 $-1.931666370e+00, v20  }
0x9f: {  	v24 =	vmul.f32 $6.931471820e-01, v24;
	v26 =	vadd.f32 $3.498211860e+00, v59;
	v22 =	vmul.f32 v30, v58  }
0xa0: {  	v21 =	vadd.f32 v21, v25;
	v19 =	vadd.f32 v20, v19;
	v20 =	vadd.s32 $0xFFFFFF81, v60  }
0xa1: {  	v20 =	vcvt.s32.f32 v20;
	v61 =	vmul.f32 v31, v26;
	v22 =	vadd.f32 $-1.931666370e+00, v22  }
0xa2: {  	v19 =	vadd.f32 v19, v21  }
0xa3: {  	v20 =	vmul.f32 $6.931471820e-01, v20;
	v63 =	vadd.f32 $-1.931666370e+00, v61;
	v62 =	vadd.f32 v22, v24;
	_ =	sdelay $0x1  }
0xa4: {  	v20 =	vadd.f32 v63, v20;
	v19 =	vadd.f32 v62, v19;
	_ =	sdelay $0x1  }
0xa5: {  	v19 =	vadd.f32 v20, v19;
	_ =	sdelay $0x1  }
0xa6: {  	s8 =	sadd.s32 $0x1, s8;
	v19 =	vmul.f32 $-6.103515630e-05, v19  }
0xa7: {  	p0 =	sne.s32 s8, s5  }
.Ltmp2:
0xa8: {  	[tilespmem:$0x10200] =	vst v19;
	(pc) =	sbr.rel @p0 .LBB2_1-.Ltmp2, $4  }
0xa9: {  	[hbm4b:s4+s2] =	stream.linear.scatter [tilespmem:s7], [sflag:$0x11], $0x80, $0x38;
	[tilespmem:$0x10280] =	vst v63  }
0xaa: {  	_ =	swait.ge [sflag:s6], $0x80  }
0xab: {  	[sflag:s6] =	ssyncset.done $0x0  }
0xac: {  	[sflag:s6] =	ssyncadd.s32 $0xFFFFFF80  }
0xad: {  	_ =	sfence.sel $0x180000  }
0xae: {  	[bflag:$0x0] =	sbarrier.arrive $0xFFFF  }
0xaf: {  	p0 =	sne.s32 s1, $0x0;
	_ =	strace $0x90000047  }
0xb0: {  	s0 =	sadd.s32 @!p0 $0x100000, s0;
	[bflag:$0x2] =	sbarrier.arrive $0xFFFF  }
0xb1: {  	[sflag:s0] =	ssyncadd.tile.s32 @!p0 $0x1;
	_ =	shalt  }
.Lfunc_end2:
_tile_overlayer_lowered:
.L_overlay_start_2:
0xb2: {  	(tag) =	ssettag $0x2  }
0xb3: {  	s0 =	rddreg [dreg:$0x0];
	s2 =	stileid.u32  }
0xb4: {  	s1 =	rddreg [dreg:$0x1];
	p0 =	sne.s32 s2, $0x0  }
0xb5: {  	s3 =	rddreg [dreg:$0x2];
	[bflag:$0x3] =	sbarrier.arrive $0xFFFF;
	s2 =	simm.s32 @!p0 $0x1C11  }
0xb6: {  	[timem:s3], [sflag:s2] =	dma.local @!p0 [hbm:s0], s1  }
0xb7: {  	s0 =	simm.s32 @!p0 $0x11  }
0xb8: {  	_ =	swait.ge @!p0 [sflag:s0], s1  }
0xb9: {  	s1 =	ssub.s32 @!p0 $0x0, s1;
	[sflag:s0] =	ssyncset.done @!p0 $0x0  }
0xba: {  	[sflag:s0] =	ssyncadd.s32 @!p0 s1  }
0xbb: {  	[bflag:$0x3] =	sbarrier.arrive $0xFFFF  }
0xbc: {  	_ =	shalt  }

</sc_bundles>
